<compile_context>
chip_gen: v7x
topology: tpu7x:2x2x1
jax: 0.10.2.dev20260603
libtpu: 0.0.44.dev20260713+nightly
codegen_flags: <defaults>
</compile_context>

<pallas_src>
import functools

import jax
import jax.numpy as jnp
from jax import lax
from jax.experimental import pallas as pl
from jax.experimental.pallas import tpu as pltpu
from jax.experimental.pallas import tpu_sc as plsc

_L = 16
_NC, _NS = 2, 16


def _make_sc_kernel(B, C, KHP):
    NW = _NC * _NS
    NG = KHP // _L

    mesh = plsc.VectorSubcoreMesh(core_axis_name="c", subcore_axis_name="s")

    @functools.partial(
        pl.kernel,
        mesh=mesh,
        out_type=(
            jax.ShapeDtypeStruct((NW, _L), jnp.float32),
            jax.ShapeDtypeStruct((NW, _L), jnp.float32),
        ),
        scratch_types=[
            pltpu.VMEM((C * KHP,), jnp.int32),
            pltpu.VMEM((C * KHP,), jnp.float32),
            pltpu.VMEM((C * KHP,), jnp.float32),
            pltpu.VMEM((KHP,), jnp.float32),
            pltpu.VMEM((_L,), jnp.float32),
            pltpu.VMEM((_L,), jnp.float32),
            pltpu.SemaphoreType.DMA,
        ],
    )
    def k(idx_hbm, tgt_hbm, maskp_hbm, inflat_hbm, psum_hbm, msum_hbm,
          idx_v, tgt_v, g_v, mask_v, ps_v, ms_v, sem):
        cid = lax.axis_index("c")
        sid = lax.axis_index("s")
        wid = sid * _NC + cid
        b = sid
        kh = cid

        pltpu.sync_copy(idx_hbm.at[b, kh], idx_v)
        pltpu.sync_copy(tgt_hbm.at[b, kh], tgt_v)
        pltpu.sync_copy(maskp_hbm.at[b, kh], mask_v)
        pltpu.async_copy(inflat_hbm.at[idx_v], g_v, sem).wait()

        def group_body(i, carry):
            acc, msum = carry
            base = i * _L

            def chan_body(c, gsum):
                o = c * KHP + base
                return gsum + jnp.abs(g_v[pl.ds(o, _L)] - tgt_v[pl.ds(o, _L)])

            gsum = lax.fori_loop(0, C, chan_body, jnp.zeros((_L,), jnp.float32))
            m = mask_v[pl.ds(base, _L)]
            return acc + gsum * jnp.abs(m), msum + m

        acc, msum = lax.fori_loop(
            0, NG, group_body,
            (jnp.zeros((_L,), jnp.float32), jnp.zeros((_L,), jnp.float32)))

        ps_v[...] = acc
        ms_v[...] = msum
        pltpu.sync_copy(ps_v, psum_hbm.at[wid])
        pltpu.sync_copy(ms_v, msum_hbm.at[wid])

    return k


def kernel(input, target, inds, mask):
    B, C, H, W = input.shape
    K = target.shape[1]
    HW = H * W

    KH = K // _NC
    KHP = ((KH + _L - 1) // _L) * _L

    inds32 = inds.astype(jnp.int32).reshape(B, _NC, KH)
    inds_p = jnp.pad(inds32, ((0, 0), (0, 0), (0, KHP - KH)))
    mask_p = jnp.pad(mask.reshape(B, _NC, KH), ((0, 0), (0, 0), (0, KHP - KH)))

    plane = (jnp.arange(B, dtype=jnp.int32)[:, None, None, None] * C
             + jnp.arange(C, dtype=jnp.int32)[None, None, :, None]) * HW
    idx_cm = (plane + inds_p[:, :, None, :]).reshape(B, _NC, C * KHP)

    tgt_cm = jnp.pad(
        target.astype(jnp.float32).reshape(B, _NC, KH, C).transpose(0, 1, 3, 2),
        ((0, 0), (0, 0), (0, 0), (0, KHP - KH))).reshape(B, _NC, C * KHP)

    input_flat = input.reshape(-1)

    k = _make_sc_kernel(B, C, KHP)
    psum, msum = k(idx_cm, tgt_cm, mask_p, input_flat)
    return psum.sum() / msum.sum()

# --- scband reference (transcript-rebuilt; emitter-appended) ---
"""Pipeline reference for scband-l1-loss-59708635349632 (READ-ONLY COPY).

The authoritative reference and input builder live on the scoring server;
editing this copy changes nothing except your own understanding.
"""

import jax, jax.numpy as jnp
import numpy as np


def setup_inputs(seed: int = 0) -> dict:
    key = jax.random.key(seed)
    k1, k2, k3 = jax.random.split(key, 3)
    B, C, H, W, K = 16, 64, 128, 128, 500
    inp = jax.random.normal(k1, (B, C, H, W), dtype=jnp.float32)
    target = jax.random.normal(k2, (B, K, C), dtype=jnp.float32)
    inds = jax.random.randint(k3, (B, K), 0, H * W).astype(jnp.int64)
    mask = jnp.ones((B, K), dtype=jnp.float32)
    return {"input": inp, "target": target, "inds": inds, "mask": mask}


def _transpose_and_gather(feat, inds):
    # feat: [B, C, H, W] -> [B, H*W, C], then gather along dim 1 with inds [B, K]
    B, C, H, W = feat.shape
    feat = jnp.transpose(feat, (0, 2, 3, 1)).reshape(B, H * W, C)
    return jnp.take_along_axis(feat, inds[:, :, None], axis=1)  # [B, K, C]


def reference(input, target, inds, mask):
    numel = mask.sum()
    preds = _transpose_and_gather(input, inds)  # [B, K, C]
    loss = jnp.abs((preds - target) * mask[..., None]).sum()
    return loss / numel

if __name__ == "__main__":
    import jax
    _d = setup_inputs()
    print(jax.jit(kernel)(*tuple(_d.values())))

</pallas_src>

<mosaic_0001>
#map = affine_map<(d0, d1) -> (0, 0, 0)>
#map1 = affine_map<(d0, d1) -> (0)>
#map2 = affine_map<(d0, d1) -> (0, 0)>
module attributes {stable_mosaic.version = 14 : i64} {
  func.func @k(%arg0: i32, %arg1: i32, %arg2: memref<16x2x16384xi32, #tpu.memory_space<hbm>>, %arg3: memref<16x2x16384xf32, #tpu.memory_space<hbm>>, %arg4: memref<16x2x256xf32, #tpu.memory_space<hbm>>, %arg5: memref<16777216xf32, #tpu.memory_space<hbm>>, %arg6: memref<32x16xf32, #tpu.memory_space<hbm>>, %arg7: memref<32x16xf32, #tpu.memory_space<hbm>>, %arg8: memref<16384xi32, #tpu.memory_space<vmem>>, %arg9: memref<16384xf32, #tpu.memory_space<vmem>>, %arg10: memref<16384xf32, #tpu.memory_space<vmem>>, %arg11: memref<256xf32, #tpu.memory_space<vmem>>, %arg12: memref<16xf32, #tpu.memory_space<vmem>>, %arg13: memref<16xf32, #tpu.memory_space<vmem>>, %arg14: memref<!tpu.dma_semaphore, #tpu.memory_space<semaphore_mem>>) attributes {dimension_semantics = [#tpu.dimension_semantics<core_parallel>, #tpu.dimension_semantics<subcore_parallel>], iteration_bounds = array<i64: 2, 16>, scalar_prefetch = 0 : i64, scratch_operands = 7 : i64, tpu.core_type = #tpu.core_type<sc_vector_subcore>, window_params = [{transform_indices = #map}, {transform_indices = #map}, {transform_indices = #map}, {transform_indices = #map1}, {transform_indices = #map2}, {transform_indices = #map2}]} {
    %mul3A = arith.constant 2 : i32
    %mul3A_0 = arith.muli %arg1, %mul3A : i32
    %add3A = arith.addi %mul3A_0, %arg0 : i32
    "tpu.region"() ({
      %run_scoped3A = tpu.sem_alloc : memref<!tpu.dma_semaphore, #tpu.memory_space<semaphore_mem>>
      %dma_start3A_18 = arith.constant 0 : i32
      %dma_start3A_19 = tpu.memref_slice %arg2[%arg1, %arg0, %dma_start3A_18] : memref<16x2x16384xi32, #tpu.memory_space<hbm>> -> memref<1x1x16384xi32, #tpu.memory_space<hbm>>
      %dma_start3A_20 = tpu.memref_squeeze %dma_start3A_19 : memref<1x1x16384xi32, #tpu.memory_space<hbm>> -> memref<16384xi32, #tpu.memory_space<hbm>>
      %dma_start3A_21 = arith.constant 0 : i32
      %dma_start3A_22 = tpu.memref_slice %arg2[%arg1, %arg0, %dma_start3A_21] : memref<16x2x16384xi32, #tpu.memory_space<hbm>> -> memref<1x1x16384xi32, #tpu.memory_space<hbm>>
      %dma_start3A_23 = tpu.memref_squeeze %dma_start3A_22 : memref<1x1x16384xi32, #tpu.memory_space<hbm>> -> memref<16384xi32, #tpu.memory_space<hbm>>
      tpu.enqueue_dma source(%dma_start3A_23 : memref<16384xi32, #tpu.memory_space<hbm>>) target(%arg8 : memref<16384xi32, #tpu.memory_space<vmem>>) target_semaphore(%run_scoped3A : memref<!tpu.dma_semaphore, #tpu.memory_space<semaphore_mem>>)
      %dma_wait3A_24 = arith.constant 0 : i32
      %dma_wait3A_25 = tpu.memref_slice %arg2[%arg1, %arg0, %dma_wait3A_24] : memref<16x2x16384xi32, #tpu.memory_space<hbm>> -> memref<1x1x16384xi32, #tpu.memory_space<hbm>>
      %dma_wait3A_26 = tpu.memref_squeeze %dma_wait3A_25 : memref<1x1x16384xi32, #tpu.memory_space<hbm>> -> memref<16384xi32, #tpu.memory_space<hbm>>
      %dma_wait3A_27 = arith.constant 0 : i32
      %dma_wait3A_28 = tpu.memref_slice %arg2[%arg1, %arg0, %dma_wait3A_27] : memref<16x2x16384xi32, #tpu.memory_space<hbm>> -> memref<1x1x16384xi32, #tpu.memory_space<hbm>>
      %dma_wait3A_29 = tpu.memref_squeeze %dma_wait3A_28 : memref<1x1x16384xi32, #tpu.memory_space<hbm>> -> memref<16384xi32, #tpu.memory_space<hbm>>
      tpu.wait_dma2 semaphore(%run_scoped3A : memref<!tpu.dma_semaphore, #tpu.memory_space<semaphore_mem>>) src(%dma_wait3A_29 : memref<16384xi32, #tpu.memory_space<hbm>>) dst(%arg8 : memref<16384xi32, #tpu.memory_space<vmem>>)
      tpu.yield
    }) : () -> ()
    "tpu.region"() ({
      %run_scoped3A = tpu.sem_alloc : memref<!tpu.dma_semaphore, #tpu.memory_space<semaphore_mem>>
      %dma_start3A_18 = arith.constant 0 : i32
      %dma_start3A_19 = tpu.memref_slice %arg3[%arg1, %arg0, %dma_start3A_18] : memref<16x2x16384xf32, #tpu.memory_space<hbm>> -> memref<1x1x16384xf32, #tpu.memory_space<hbm>>
      %dma_start3A_20 = tpu.memref_squeeze %dma_start3A_19 : memref<1x1x16384xf32, #tpu.memory_space<hbm>> -> memref<16384xf32, #tpu.memory_space<hbm>>
      %dma_start3A_21 = arith.constant 0 : i32
      %dma_start3A_22 = tpu.memref_slice %arg3[%arg1, %arg0, %dma_start3A_21] : memref<16x2x16384xf32, #tpu.memory_space<hbm>> -> memref<1x1x16384xf32, #tpu.memory_space<hbm>>
      %dma_start3A_23 = tpu.memref_squeeze %dma_start3A_22 : memref<1x1x16384xf32, #tpu.memory_space<hbm>> -> memref<16384xf32, #tpu.memory_space<hbm>>
      tpu.enqueue_dma source(%dma_start3A_23 : memref<16384xf32, #tpu.memory_space<hbm>>) target(%arg9 : memref<16384xf32, #tpu.memory_space<vmem>>) target_semaphore(%run_scoped3A : memref<!tpu.dma_semaphore, #tpu.memory_space<semaphore_mem>>)
      %dma_wait3A_24 = arith.constant 0 : i32
      %dma_wait3A_25 = tpu.memref_slice %arg3[%arg1, %arg0, %dma_wait3A_24] : memref<16x2x16384xf32, #tpu.memory_space<hbm>> -> memref<1x1x16384xf32, #tpu.memory_space<hbm>>
      %dma_wait3A_26 = tpu.memref_squeeze %dma_wait3A_25 : memref<1x1x16384xf32, #tpu.memory_space<hbm>> -> memref<16384xf32, #tpu.memory_space<hbm>>
      %dma_wait3A_27 = arith.constant 0 : i32
      %dma_wait3A_28 = tpu.memref_slice %arg3[%arg1, %arg0, %dma_wait3A_27] : memref<16x2x16384xf32, #tpu.memory_space<hbm>> -> memref<1x1x16384xf32, #tpu.memory_space<hbm>>
      %dma_wait3A_29 = tpu.memref_squeeze %dma_wait3A_28 : memref<1x1x16384xf32, #tpu.memory_space<hbm>> -> memref<16384xf32, #tpu.memory_space<hbm>>
      tpu.wait_dma2 semaphore(%run_scoped3A : memref<!tpu.dma_semaphore, #tpu.memory_space<semaphore_mem>>) src(%dma_wait3A_29 : memref<16384xf32, #tpu.memory_space<hbm>>) dst(%arg9 : memref<16384xf32, #tpu.memory_space<vmem>>)
      tpu.yield
    }) : () -> ()
    "tpu.region"() ({
      %run_scoped3A = tpu.sem_alloc : memref<!tpu.dma_semaphore, #tpu.memory_space<semaphore_mem>>
      %dma_start3A_18 = arith.constant 0 : i32
      %dma_start3A_19 = tpu.memref_slice %arg4[%arg1, %arg0, %dma_start3A_18] : memref<16x2x256xf32, #tpu.memory_space<hbm>> -> memref<1x1x256xf32, #tpu.memory_space<hbm>>
      %dma_start3A_20 = tpu.memref_squeeze %dma_start3A_19 : memref<1x1x256xf32, #tpu.memory_space<hbm>> -> memref<256xf32, #tpu.memory_space<hbm>>
      %dma_start3A_21 = arith.constant 0 : i32
      %dma_start3A_22 = tpu.memref_slice %arg4[%arg1, %arg0, %dma_start3A_21] : memref<16x2x256xf32, #tpu.memory_space<hbm>> -> memref<1x1x256xf32, #tpu.memory_space<hbm>>
      %dma_start3A_23 = tpu.memref_squeeze %dma_start3A_22 : memref<1x1x256xf32, #tpu.memory_space<hbm>> -> memref<256xf32, #tpu.memory_space<hbm>>
      tpu.enqueue_dma source(%dma_start3A_23 : memref<256xf32, #tpu.memory_space<hbm>>) target(%arg11 : memref<256xf32, #tpu.memory_space<vmem>>) target_semaphore(%run_scoped3A : memref<!tpu.dma_semaphore, #tpu.memory_space<semaphore_mem>>)
      %dma_wait3A_24 = arith.constant 0 : i32
      %dma_wait3A_25 = tpu.memref_slice %arg4[%arg1, %arg0, %dma_wait3A_24] : memref<16x2x256xf32, #tpu.memory_space<hbm>> -> memref<1x1x256xf32, #tpu.memory_space<hbm>>
      %dma_wait3A_26 = tpu.memref_squeeze %dma_wait3A_25 : memref<1x1x256xf32, #tpu.memory_space<hbm>> -> memref<256xf32, #tpu.memory_space<hbm>>
      %dma_wait3A_27 = arith.constant 0 : i32
      %dma_wait3A_28 = tpu.memref_slice %arg4[%arg1, %arg0, %dma_wait3A_27] : memref<16x2x256xf32, #tpu.memory_space<hbm>> -> memref<1x1x256xf32, #tpu.memory_space<hbm>>
      %dma_wait3A_29 = tpu.memref_squeeze %dma_wait3A_28 : memref<1x1x256xf32, #tpu.memory_space<hbm>> -> memref<256xf32, #tpu.memory_space<hbm>>
      tpu.wait_dma2 semaphore(%run_scoped3A : memref<!tpu.dma_semaphore, #tpu.memory_space<semaphore_mem>>) src(%dma_wait3A_29 : memref<256xf32, #tpu.memory_space<hbm>>) dst(%arg11 : memref<256xf32, #tpu.memory_space<vmem>>)
      tpu.yield
    }) : () -> ()
    %dma_start3A = arith.constant 0 : i32
    %dma_start3A_1 = tpu.memref_slice %arg5[%dma_start3A] : memref<16777216xf32, #tpu.memory_space<hbm>> -> memref<16777216xf32, #tpu.memory_space<hbm>>
    tpu.enqueue_indirect_dma source(%dma_start3A_1 : memref<16777216xf32, #tpu.memory_space<hbm>>) target(%arg10 : memref<16384xf32, #tpu.memory_space<vmem>>) offsets(%arg8 : memref<16384xi32, #tpu.memory_space<vmem>>) semaphore(%arg14 : memref<!tpu.dma_semaphore, #tpu.memory_space<semaphore_mem>>)
    %dma_wait3A = arith.constant 0 : i32
    %dma_wait3A_2 = tpu.memref_slice %arg5[%dma_wait3A] : memref<16777216xf32, #tpu.memory_space<hbm>> -> memref<16777216xf32, #tpu.memory_space<hbm>>
    tpu.wait_indirect_dma semaphore(%arg14 : memref<!tpu.dma_semaphore, #tpu.memory_space<semaphore_mem>>) src(%dma_wait3A_2 : memref<16777216xf32, #tpu.memory_space<hbm>>) dst(%arg10 : memref<16384xf32, #tpu.memory_space<vmem>>)
    %broadcast_in_dim3A = arith.constant 0.000000e+00 : f32
    %broadcast_in_dim3A_3 = vector.broadcast %broadcast_in_dim3A : f32 to vector<16xf32>
    %broadcast_in_dim3A_4 = arith.constant 0.000000e+00 : f32
    %broadcast_in_dim3A_5 = vector.broadcast %broadcast_in_dim3A_4 : f32 to vector<16xf32>
    %scan3A = arith.constant 0 : i32
    %scan3A_6 = arith.constant 16 : i32
    %scan3A_7 = arith.addi %scan3A, %scan3A_6 : i32
    %scan3A_8 = arith.constant 1 : i32
    %scan3A_9:2 = scf.for %scan3A_18 = %scan3A to %scan3A_7 step %scan3A_8 iter_args(%scan3A_19 = %broadcast_in_dim3A_3, %scan3A_20 = %broadcast_in_dim3A_5) -> (vector<16xf32>, vector<16xf32>)  : i32 {
      %mul3A_21 = arith.constant 16 : i32
      %mul3A_22 = arith.muli %scan3A_18, %mul3A_21 : i32
      %broadcast_in_dim3A_23 = arith.constant 0.000000e+00 : f32
      %broadcast_in_dim3A_24 = vector.broadcast %broadcast_in_dim3A_23 : f32 to vector<16xf32>
      %scan3A_25 = arith.constant 0 : i32
      %scan3A_26 = arith.constant 64 : i32
      %scan3A_27 = arith.addi %scan3A_25, %scan3A_26 : i32
      %scan3A_28 = arith.constant 1 : i32
      %scan3A_29 = scf.for %scan3A_36 = %scan3A_25 to %scan3A_27 step %scan3A_28 iter_args(%scan3A_37 = %broadcast_in_dim3A_24) -> (vector<16xf32>)  : i32 {
        %mul3A_38 = arith.constant 256 : i32
        %mul3A_39 = arith.muli %scan3A_36, %mul3A_38 : i32
        %add3A_40 = arith.addi %mul3A_39, %mul3A_22 : i32
        %get3A_41 = arith.index_cast %add3A_40 : i32 to index
        %get3A_42 = tpu.vector_load %arg10[%get3A_41] {strides = array<i32>} : memref<16384xf32, #tpu.memory_space<vmem>>, vector<16xf32>,
        %get3A_43 = vector.shape_cast %get3A_42 : vector<16xf32> to vector<16xf32>
        %get3A_44 = arith.index_cast %add3A_40 : i32 to index
        %get3A_45 = tpu.vector_load %arg9[%get3A_44] {strides = array<i32>} : memref<16384xf32, #tpu.memory_space<vmem>>, vector<16xf32>,
        %get3A_46 = vector.shape_cast %get3A_45 : vector<16xf32> to vector<16xf32>
        %sub3A = arith.subf %get3A_43, %get3A_46 : vector<16xf32>
        %abs3A_47 = math.absf %sub3A : vector<16xf32>
        %add3A_48 = arith.addf %scan3A_37, %abs3A_47 : vector<16xf32>
        scf.yield %add3A_48 : vector<16xf32>
      }
      %scan3A_30 = arith.constant 64 : i32
      %get3A = arith.index_cast %mul3A_22 : i32 to index
      %get3A_31 = tpu.vector_load %arg11[%get3A] {strides = array<i32>} : memref<256xf32, #tpu.memory_space<vmem>>, vector<16xf32>,
      %get3A_32 = vector.shape_cast %get3A_31 : vector<16xf32> to vector<16xf32>
      %abs3A = math.absf %get3A_32 : vector<16xf32>
      %mul3A_33 = arith.mulf %scan3A_29, %abs3A : vector<16xf32>
      %add3A_34 = arith.addf %scan3A_19, %mul3A_33 : vector<16xf32>
      %add3A_35 = arith.addf %scan3A_20, %get3A_32 : vector<16xf32>
      scf.yield %add3A_34, %add3A_35 : vector<16xf32>, vector<16xf32>
    }
    %scan3A_10 = arith.constant 16 : i32
    %swap3A = arith.constant 0 : index
    %swap3A_11 = tpu.vector_load %arg12[%swap3A] {strides = array<i32>} : memref<16xf32, #tpu.memory_space<vmem>>, vector<16xf32>,
    %swap3A_12 = vector.shape_cast %swap3A_11 : vector<16xf32> to vector<16xf32>
    %swap3A_13 = vector.shape_cast %scan3A_9#0 : vector<16xf32> to vector<16xf32>
    tpu.vector_store %arg12[%swap3A], %swap3A_13 {strides = array<i32>} : memref<16xf32, #tpu.memory_space<vmem>>, vector<16xf32>,
    %swap3A_14 = arith.constant 0 : index
    %swap3A_15 = tpu.vector_load %arg13[%swap3A_14] {strides = array<i32>} : memref<16xf32, #tpu.memory_space<vmem>>, vector<16xf32>,
    %swap3A_16 = vector.shape_cast %swap3A_15 : vector<16xf32> to vector<16xf32>
    %swap3A_17 = vector.shape_cast %scan3A_9#1 : vector<16xf32> to vector<16xf32>
    tpu.vector_store %arg13[%swap3A_14], %swap3A_17 {strides = array<i32>} : memref<16xf32, #tpu.memory_space<vmem>>, vector<16xf32>,
    "tpu.region"() ({
      %run_scoped3A = tpu.sem_alloc : memref<!tpu.dma_semaphore, #tpu.memory_space<semaphore_mem>>
      %dma_start3A_18 = arith.constant 0 : i32
      %dma_start3A_19 = tpu.memref_slice %arg6[%add3A, %dma_start3A_18] : memref<32x16xf32, #tpu.memory_space<hbm>> -> memref<1x16xf32, #tpu.memory_space<hbm>>
      %dma_start3A_20 = tpu.memref_squeeze %dma_start3A_19 : memref<1x16xf32, #tpu.memory_space<hbm>> -> memref<16xf32, #tpu.memory_space<hbm>>
      %dma_start3A_21 = arith.constant 0 : i32
      %dma_start3A_22 = tpu.memref_slice %arg6[%add3A, %dma_start3A_21] : memref<32x16xf32, #tpu.memory_space<hbm>> -> memref<1x16xf32, #tpu.memory_space<hbm>>
      %dma_start3A_23 = tpu.memref_squeeze %dma_start3A_22 : memref<1x16xf32, #tpu.memory_space<hbm>> -> memref<16xf32, #tpu.memory_space<hbm>>
      tpu.enqueue_dma source(%arg12 : memref<16xf32, #tpu.memory_space<vmem>>) target(%dma_start3A_23 : memref<16xf32, #tpu.memory_space<hbm>>) target_semaphore(%run_scoped3A : memref<!tpu.dma_semaphore, #tpu.memory_space<semaphore_mem>>)
      %dma_wait3A_24 = arith.constant 0 : i32
      %dma_wait3A_25 = tpu.memref_slice %arg6[%add3A, %dma_wait3A_24] : memref<32x16xf32, #tpu.memory_space<hbm>> -> memref<1x16xf32, #tpu.memory_space<hbm>>
      %dma_wait3A_26 = tpu.memref_squeeze %dma_wait3A_25 : memref<1x16xf32, #tpu.memory_space<hbm>> -> memref<16xf32, #tpu.memory_space<hbm>>
      %dma_wait3A_27 = arith.constant 0 : i32
      %dma_wait3A_28 = tpu.memref_slice %arg6[%add3A, %dma_wait3A_27] : memref<32x16xf32, #tpu.memory_space<hbm>> -> memref<1x16xf32, #tpu.memory_space<hbm>>
      %dma_wait3A_29 = tpu.memref_squeeze %dma_wait3A_28 : memref<1x16xf32, #tpu.memory_space<hbm>> -> memref<16xf32, #tpu.memory_space<hbm>>
      tpu.wait_dma2 semaphore(%run_scoped3A : memref<!tpu.dma_semaphore, #tpu.memory_space<semaphore_mem>>) src(%arg12 : memref<16xf32, #tpu.memory_space<vmem>>) dst(%dma_wait3A_29 : memref<16xf32, #tpu.memory_space<hbm>>)
      tpu.yield
    }) : () -> ()
    "tpu.region"() ({
      %run_scoped3A = tpu.sem_alloc : memref<!tpu.dma_semaphore, #tpu.memory_space<semaphore_mem>>
      %dma_start3A_18 = arith.constant 0 : i32
      %dma_start3A_19 = tpu.memref_slice %arg7[%add3A, %dma_start3A_18] : memref<32x16xf32, #tpu.memory_space<hbm>> -> memref<1x16xf32, #tpu.memory_space<hbm>>
      %dma_start3A_20 = tpu.memref_squeeze %dma_start3A_19 : memref<1x16xf32, #tpu.memory_space<hbm>> -> memref<16xf32, #tpu.memory_space<hbm>>
      %dma_start3A_21 = arith.constant 0 : i32
      %dma_start3A_22 = tpu.memref_slice %arg7[%add3A, %dma_start3A_21] : memref<32x16xf32, #tpu.memory_space<hbm>> -> memref<1x16xf32, #tpu.memory_space<hbm>>
      %dma_start3A_23 = tpu.memref_squeeze %dma_start3A_22 : memref<1x16xf32, #tpu.memory_space<hbm>> -> memref<16xf32, #tpu.memory_space<hbm>>
      tpu.enqueue_dma source(%arg13 : memref<16xf32, #tpu.memory_space<vmem>>) target(%dma_start3A_23 : memref<16xf32, #tpu.memory_space<hbm>>) target_semaphore(%run_scoped3A : memref<!tpu.dma_semaphore, #tpu.memory_space<semaphore_mem>>)
      %dma_wait3A_24 = arith.constant 0 : i32
      %dma_wait3A_25 = tpu.memref_slice %arg7[%add3A, %dma_wait3A_24] : memref<32x16xf32, #tpu.memory_space<hbm>> -> memref<1x16xf32, #tpu.memory_space<hbm>>
      %dma_wait3A_26 = tpu.memref_squeeze %dma_wait3A_25 : memref<1x16xf32, #tpu.memory_space<hbm>> -> memref<16xf32, #tpu.memory_space<hbm>>
      %dma_wait3A_27 = arith.constant 0 : i32
      %dma_wait3A_28 = tpu.memref_slice %arg7[%add3A, %dma_wait3A_27] : memref<32x16xf32, #tpu.memory_space<hbm>> -> memref<1x16xf32, #tpu.memory_space<hbm>>
      %dma_wait3A_29 = tpu.memref_squeeze %dma_wait3A_28 : memref<1x16xf32, #tpu.memory_space<hbm>> -> memref<16xf32, #tpu.memory_space<hbm>>
      tpu.wait_dma2 semaphore(%run_scoped3A : memref<!tpu.dma_semaphore, #tpu.memory_space<semaphore_mem>>) src(%arg13 : memref<16xf32, #tpu.memory_space<vmem>>) dst(%dma_wait3A_29 : memref<16xf32, #tpu.memory_space<hbm>>)
      tpu.yield
    }) : () -> ()
    return
  }
}

</mosaic_0001>

<sc_bundles>
// kernel: kernel.3.cloned.1.call-start
scs
__scs_entry_jumppad:
0x0: {  	(pc) =	sbr.rel $0x88, $3  }
0x1: {  	(tag) =	ssettag $0x0;
	lr =	simm.s32 $0x1  }
0x2: {  	[smem:$0x3F9D] =	sst lr;
	_ =	strace $0xD0000000  }
0x3: {  	_ = 	snop  }
0x4: {  	_ = 	snop  }
0x5: {  	_ = 	snop  }
0x6: {  	_ = 	snop  }
0x7: {  	_ = 	snop  }
__scs_overlays_trampoline_lowered:
0x8: {  	[smem:$0x3FAC] =	sst s0  }
0x9: {  	[smem:$0x3FAD] =	sst s1  }
0xa: {  	[smem:$0x3FAE] =	sst s2  }
0xb: {  	[smem:$0x3FAF] =	sst s3  }
0xc: {  	[smem:$0x3FB0] =	sst s4  }
0xd: {  	[smem:$0x3FB1] =	sst s5  }
0xe: {  	[smem:$0x3FB2] =	sst s6  }
0xf: {  	[smem:$0x3FB3] =	sst s7  }
0x10: {  	[smem:$0x3FB4] =	sst s8  }
0x11: {  	[smem:$0x3FB5] =	sst s9;
	s0 =	simm.s32 @!p0 $0x0  }
0x12: {  	s1 =	sld [smem:$0x3F9B];
	s0 =	simm.s32 @p0 $0x1  }
0x13: {  	[smem:$0x3FB6] =	sst s0;
	s0 =	simm.s32 @!p1 $0x0  }
0x14: {  	s2 =	sld [smem:$0x3F9A];
	s0 =	simm.s32 @p1 $0x1  }
0x15: {  	[smem:$0x3FB7] =	sst s0;
	s0 =	simm.s32 @!p2 $0x0  }
0x16: {  	s3 =	sld [smem:$0x3FDB];
	s0 =	simm.s32 @p2 $0x1  }
0x17: {  	s4 =	simm.s32 $0x1BF5;
	[smem:$0x3FB9] =	sst s0  }
0x18: {  	s0 =	sld [smem:$0x3F9C];
	_ =	swait.ge [sflag:s4], $0x0  }
0x19: {  	s7 =	sld [smem:$0x3F9D]  }
0x1a: {  	s8 =	sadd.s32 $0xFFFFE003, lr  }
0x1b: {  	s9 =	sadd.s32 $0xFFFFFEF7, lr;
	s5 =	simm.s32 $0xFFFFFFFF;
	p2 =	slt.u32 s8, $0xFFFFF086  }
0x1c: {  	p1 =	slt.u32 s9, $0xF7A;
	s5 =	simm.s32 @!p2 $0x0  }
0x1d: {  	s5 =	simm.s32 @p1 $0x1;
	p0 =	seq.s32 s7, s2  }
0x1e: {  	s7 =	smul.u32 @!p0 $0xF7A, s2;
	p2 =	seq.s32 @!p0 s5, $0x0  }
0x1f: {  	s9 =	smul.u32 $0xF7A, s1;
	s8 =	simm.s32 @!p0 $0x1BF5;
	p2 =	por !p2, p0  }
0x20: {  	[sflag:s8] =	ssyncset.s32 @!p0 $0xFFFFF086;
	s6 =	sadd.s32 @!p0 s3, s7;
	s7 =	simm.s32 @!p0 $0x108  }
0x21: {  	s3 =	sadd.s32 s3, s9;
	s6 =	sadd.s32 @!p0 $0x88, s6;
	s7 =	simm.s32 @p2 $0x1082  }
0x22: {  	[simem:s7], [sflag:s8] =	dma.local @!p0 [hbm:s6], $0xF7A  }
0x23: {  	s9 =	sor.u32 $0xD0000000, s2;
	s6 =	simm.s32 $0x108;
	_ =	swait.ge @!p0 [sflag:s8], $0x0  }
0x24: {  	s3 =	sadd.s32 $0x88, s3;
	s6 =	simm.s32 @!p1 $0x1082;
	[sflag:s4] =	ssyncset.s32 $0xFFFFF086  }
0x25: {  	[simem:s6], [sflag:s4] =	dma.local [hbm:s3], $0xF7A  }
0x26: {  	[smem:$0x3F9D] =	sst s1;
	(tag) =	ssettag s2;
	_ =	strace s9  }
0x27: {  	s1 =	sld [smem:$0x3FAD]  }
0x28: {  	s2 =	sld [smem:$0x3FAE]  }
0x29: {  	s4 =	sld [smem:$0x3FB0]  }
0x2a: {  	p0 =	seq.s32 s5, $0x0;
	s5 =	sld [smem:$0x3FB1]  }
0x2b: {  	s6 =	sld [smem:$0x3FB2]  }
0x2c: {  	s7 =	sld [smem:$0x3FB3]  }
0x2d: {  	s3 =	simm.s32 $0x108;
	s8 =	sld [smem:$0x3FB4]  }
0x2e: {  	s3 =	simm.s32 @!p0 $0x1082;
	s9 =	sld [smem:$0x3FB5]  }
0x2f: {  	lr =	sadd.s32 s0, s3;
	s0 =	sld [smem:$0x3FAC]  }
0x30: {  	s3 =	sld [smem:$0x3FAF]  }
0x31: {  	[smem:$0x3FB8] =	sst s10  }
0x32: {  	s10 =	sld [smem:$0x3FB6];
	_ =	sdelay $0x3  }
0x33: {  	p0 =	seq.s32 s10, $0x1;
	s10 =	sld [smem:$0x3FB8];
	_ =	sdelay $0x3  }
0x34: {  	[smem:$0x3FB8] =	sst s10  }
0x35: {  	s10 =	sld [smem:$0x3FB7];
	_ =	sdelay $0x3  }
0x36: {  	p1 =	seq.s32 s10, $0x1;
	s10 =	sld [smem:$0x3FB8];
	_ =	sdelay $0x3  }
0x37: {  	[smem:$0x3FB8] =	sst s10  }
0x38: {  	s10 =	sld [smem:$0x3FB9]  }
0x39: {  	_ = 	snop;
	(pc) =	sbr.ind lr, $3  }
0x3a: {  	_ = 	snop  }
0x3b: {  	_ = 	snop  }
0x3c: {  	p2 =	seq.s32 s10, $0x1;
	s10 =	sld [smem:$0x3FB8]  }
0x3d: {  	_ =	shalt  }
0x3e: {  	_ =	shalt  }
0x3f: {  	_ =	shalt  }
0x40: {  	_ =	shalt  }
0x41: {  	_ =	shalt  }
0x42: {  	_ =	shalt  }
0x43: {  	_ =	shalt  }
0x44: {  	_ =	shalt  }
0x45: {  	_ =	shalt  }
0x46: {  	_ =	shalt  }
0x47: {  	_ =	shalt  }
0x48: {  	_ =	shalt  }
0x49: {  	_ =	shalt  }
0x4a: {  	_ =	shalt  }
0x4b: {  	_ =	shalt  }
0x4c: {  	_ =	shalt  }
0x4d: {  	_ =	shalt  }
0x4e: {  	_ =	shalt  }
0x4f: {  	_ =	shalt  }
0x50: {  	_ =	shalt  }
0x51: {  	_ =	shalt  }
0x52: {  	_ =	shalt  }
0x53: {  	_ =	shalt  }
0x54: {  	_ =	shalt  }
0x55: {  	_ =	shalt  }
0x56: {  	_ =	shalt  }
0x57: {  	_ =	shalt  }
0x58: {  	_ =	shalt  }
0x59: {  	_ =	shalt  }
0x5a: {  	_ =	shalt  }
0x5b: {  	_ =	shalt  }
0x5c: {  	_ =	shalt  }
0x5d: {  	_ =	shalt  }
0x5e: {  	_ =	shalt  }
0x5f: {  	_ =	shalt  }
0x60: {  	_ =	shalt  }
0x61: {  	_ =	shalt  }
0x62: {  	_ =	shalt  }
0x63: {  	_ =	shalt  }
0x64: {  	_ =	shalt  }
0x65: {  	_ =	shalt  }
0x66: {  	_ =	shalt  }
0x67: {  	_ =	shalt  }
0x68: {  	_ =	shalt  }
0x69: {  	_ =	shalt  }
0x6a: {  	_ =	shalt  }
0x6b: {  	_ =	shalt  }
0x6c: {  	_ =	shalt  }
0x6d: {  	_ =	shalt  }
0x6e: {  	_ =	shalt  }
0x6f: {  	_ =	shalt  }
0x70: {  	_ =	shalt  }
0x71: {  	_ =	shalt  }
0x72: {  	_ =	shalt  }
0x73: {  	_ =	shalt  }
0x74: {  	_ =	shalt  }
0x75: {  	_ =	shalt  }
0x76: {  	_ =	shalt  }
0x77: {  	_ =	shalt  }
0x78: {  	_ =	shalt  }
0x79: {  	_ =	shalt  }
0x7a: {  	_ =	shalt  }
0x7b: {  	_ =	shalt  }
0x7c: {  	_ =	shalt  }
0x7d: {  	_ =	shalt  }
0x7e: {  	_ =	shalt  }
0x7f: {  	_ =	shalt  }
0x80: {  	_ =	shalt  }
0x81: {  	_ =	shalt  }
0x82: {  	_ =	shalt  }
0x83: {  	_ =	shalt  }
0x84: {  	_ =	shalt  }
0x85: {  	_ =	shalt  }
0x86: {  	_ =	shalt  }
0x87: {  	_ =	shalt  }
.Lfunc_end0:
.L_simem_size_0:
called_computation_lowered:
.L_overlay_start_0:
0x88: {  	s2 =	sld [smem:$0x3FD9]  }
0x89: {  	s3 =	sld [smem:$0x3FFE];
	_ =	sdelay $0x1  }
0x8a: {  	s1 =	srdreg.scid  }
0x8b: {  	s0 =	sand.u32 $0x1, s1  }
0x8c: {  	s17 =	sshll.u32 s0, $0xA;
	s2 =	sadd.s32 s3, s2  }
0x8d: {  	s2 =	sadd.s32 s2, s17  }
0x8e: {  	[smem:$0x3FC4] =	sst s2  }
0x8f: {  	_ = 	snop  }
0x90: {  	s2 =	sld [smem:$0x3FC9];
	(tm) =	ssettm $0x1  }
0x91: {  	s18 =	sld [smem:$0x3FFB];
	_ =	sdelay $0x3  }
0x92: {  	_ =	strace s18  }
0x93: {  	s3 =	sld [smem:$0x3FFC];
	_ =	sdelay $0x3  }
0x94: {  	_ =	strace s3  }
0x95: {  	s3 =	sld [smem:$0x3FFD];
	_ =	sdelay $0x3  }
0x96: {  	_ =	strace s3  }
0x97: {  	_ =	strace $0x8FFFFFFF  }
0x98: {  	s19 =	sld [smem:$0x3FDB];
	_ =	sdelay $0x1  }
0x99: {  	s4 =	simm.s32 $_scs_section_size  }
0x9a: {  	s5 =	simm.s32 $_size__tile_overlayer_lowered;
	s6 =	simm.s32 $_tile_overlayer_lowered  }
0x9b: {  	s22 =	simm.s32 $0x1BFF;
	s21 =	sshll.u32 s6, $0x1;
	s3 =	sadd.s32 s4, s19  }
0x9c: {  	s7 =	simm.s32 $0x0;
	s20 =	sshll.u32 s5, $0x1;
	s5 =	sadd.s32 s21, s3  }
0x9d: {  	[timem:s7], [sflag:s22] =	dma.local [hbm:s5], s20  }
0x9e: {  	_ =	swait.ge [sflag:s22], s20  }
0x9f: {  	s4 =	ssub.s32 $0x0, s20;
	[sflag:s22] =	ssyncset.done $0x0  }
0xa0: {  	[sflag:s22] =	ssyncadd.s32 s4;
	_ =	sdelay $0x1  }
0xa1: {  	s23 =	simm.s32 $0x1B8B  }
0xa2: {  	_ =	swait.ge [sflag:s23], $0x1  }
0xa3: {  	[sflag:s23] =	ssyncset.done $0x0  }
0xa4: {  	s25 =	simm.s32 $0x1B8E;
	s24 =	sld [smem:$0x3FFE];
	[sflag:s23] =	ssyncadd.s32 $0xFFFFFFFF  }
0xa5: {  	s26 =	simm.s32 $execute0_lowered;
	[smem:$0x3FD2] =	sst s25  }
0xa6: {  	s5 =	sshll.u32 s26, $0x1;
	_ =	strace $0x80000046;
	[dreg:$0x1] =	wrdreg $0xFFFFFFFF  }
0xa7: {  	s28 =	simm.s32 $_size_execute0_lowered;
	s3 =	sadd.s32 s3, s5;
	[dreg:$0x0] =	wrdreg $0x0  }
0xa8: {  	s5 =	sshll.u32 s28, $0x1;
	[dreg:$0x2] =	wrdreg s3  }
0xa9: {  	[dreg:$0x3] =	wrdreg s5  }
0xaa: {  	[dreg:$0x4] =	wrdreg $0xC0  }
0xab: {  	_ =	task [dreg:s7], $0x5FFFF  }
0xac: {  	[dreg:$0x1] =	wrdreg $0xFFFFFFFF  }
0xad: {  	[dreg:$0x0] =	wrdreg $0x60  }
0xae: {  	[dreg:$0x2] =	wrdreg s24  }
0xaf: {  	[dreg:$0x3] =	wrdreg s2  }
0xb0: {  	[dreg:$0x4] =	wrdreg $0x9  }
0xb1: {  	_ =	task.clear_ibuf [dreg:s7], $0x5FFFF;
	_ =	strace $0x90000046  }
0xb2: {  	s29 =	simm.s32 $0x9;
	_ =	strace $0x80000048  }
0xb3: {  	_ =	swait.ge [sflag:s29], $0x1  }
0xb4: {  	[sflag:s29] =	ssyncadd.s32 $0xFFFFFFFF  }
0xb5: {  	_ =	strace $0x90000048  }
0xb6: {  	_ =	sfence  }
0xb7: {  	s30 =	sld [smem:$0x0];
	_ =	sdelay $0x2  }
0xb8: {  	s31 =	sshll.u32 s1, $0xD;
	s1 =	sshrl.u32 s1, $0x2  }
0xb9: {  	s3 =	sand.u32 $0x4000, s31;
	s1 =	sadd.s32 s1, s30  }
0xba: {  	s0 =	sor.u32 s3, s0;
	s1 =	sshll.u32 s1, $0x11  }
0xbb: {  	s0 =	sor.u32 s1, s0  }
0xbc: {  	s0 =	sadd.s32 $0x8F2B, s0  }
0xbd: {  	[sflag:s0] =	ssyncadd.remote.s32 $0x1  }
0xbe: {  	_ =	sfence.sel $0xFFFF  }
0xbf: {  	[dreg:$0x0] =	wrdreg $0xFFFFFFFF;
	(pc) =	sbr.abs _section_cstart, $3  }
0xc0: {  	[dreg:$0x1] =	wrdreg $0xFFFFFFFF  }
0xc1: {  	_ =	task.clear_ibuf [dreg:s7], $0x2FFFF;
	_ =	strace $0x9FFFFFFF  }
0xc2: {  	(tm) =	ssettm $0x7FFFFFFF  }
0xc3: {  	_ =	shalt  }
tec
execute0_lowered:
.L_overlay_start_1:
0x0: {  	(tag) =	ssettag $0x1  }
0x1: {  	s1 =	srdreg.scid  }
0x2: {  	s4 =	rddreg [dreg:$0x0];
	s0 =	stileid.u32  }
0x3: {  	s2 =	rddreg [dreg:$0x1];
	s3 =	simm.s32 $0x0;
	s10 =	simm.s32 $0x80  }
0x4: {  	s11 =	simm.s32 $0x100;
	s12 =	simm.s32 $0x2;
	s13 =	simm.s32 $0xC000  }
0x5: {  	s14 =	simm.s32 $0x1;
	s15 =	simm.s32 $0xC100;
	s16 =	simm.s32 $0xC180  }
0x6: {  	s17 =	simm.s32 $0x0;
	s5 =	sand.u32 $0x1, s1;
	s1 =	rddreg [dreg:$0x2]  }
0x7: {  	s7 =	sshll.u32 s0, $0xF;
	[smem:$0x7FF] =	sst s3;
	s8 =	sshll.u32 s0, $0x9  }
0x8: {  	s29 =	sshll.u32 s0, $0x5;
	s6 =	sshll.u32 s5, $0x7;
	_ =	strace $0x80000047  }
0x9: {  	s9 =	sshll.u32 s5, $0x4;
	s5 =	ssub.s32 $0x2, s5;
	s7 =	sor.u32 s6, s7  }
0xa: {  	s6 =	sor.u32 s6, s8;
	s8 =	sor.u32 s9, s29;
	s30 =	sshrl.u32 s5, $0x1  }
0xb: {  	s7 =	sshrl.u32 s7, $0x3;
	s6 =	sshrl.u32 s6, $0x3;
	s8 =	sadd.s32 s8, s4  }
0xc: {  	s31 =	ssub.s32 s5, s30;
	s7 =	sadd.s32 s7, s4;
	s6 =	sadd.s32 s6, s4  }
0xd: {  	s9 =	smax.u32 s31, $0x1;
	s4 =	sadd.s32 $0x10600, s7;
	s5 =	sadd.s32 $0x200, s7  }
0xe: {  	s6 =	sadd.s32 $0x10200, s6;
	s7 =	sadd.s32 $0x20600, s8;
	s8 =	sadd.s32 $0x20800, s8  }
.LBB2_1:
0xf: {  	[tilespmem:s3], [sflag:$0x2] =	stream.strided.gather [hbm4b:s4+s10], $0x4000, s11, s10, $0x38;
	[tilespmem:$0xC200] =	vst v63  }
0x10: {  	_ =	swait.ge [sflag:s12], $0x4000  }
0x11: {  	[sflag:s12] =	ssyncset.done $0x0  }
0x12: {  	s18 =	simm.s32 $0x4000;
	[sflag:s12] =	ssyncadd.s32 $0xFFFFC000  }
0x13: {  	[tilespmem:s18], [sflag:$0x2] =	stream.strided.gather [hbm4b:s5+s10], $0x4000, s11, s10, $0x38;
	[tilespmem:$0xC200] =	vst v63  }
0x14: {  	_ =	swait.ge [sflag:s12], $0x4000  }
0x15: {  	[sflag:s12] =	ssyncset.done $0x0  }
0x16: {  	[sflag:s12] =	ssyncadd.s32 $0xFFFFC000  }
0x17: {  	[tilespmem:s13], [sflag:$0x2] =	stream.strided.gather [hbm4b:s6+s10], $0x100, s11, s10, $0x38;
	[tilespmem:$0xC200] =	vst v63  }
0x18: {  	_ =	swait.ge [sflag:s12], $0x100  }
0x19: {  	[sflag:s12] =	ssyncset.done $0x0  }
0x1a: {  	s19 =	simm.s32 $0x8000;
	[sflag:s12] =	ssyncadd.s32 $0xFFFFFF00  }
0x1b: {  	[tilespmem:s19], [sflag:$0x1] =	stream.indirect.gather [hbm4b:s2+s18], $0x1, s3, s18, $0xb8;
	[tilespmem:$0xC200] =	vst v63  }
0x1c: {  	_ =	swait.ge [sflag:s14], $0x4000  }
0x1d: {  	[sflag:s14] =	ssyncset.done $0x0  }
0x1e: {  	v0 =	vimm.f32 $0.0e+00;
	v1 =	vimm.f32 $0.0e+00;
	s20 =	simm.s32 $0x0;
	[sflag:s14] =	ssyncadd.s32 $0xFFFFC000  }
.LBB2_2:
0x1f: {  	v2 =	vmov s19  }
0x20: {  	v3 =	vmov s18;
	_ =	sdelay $0x2  }
0x21: {  	s23 =	simm.s32 $0x0  }
0x22: {  	v4 =	vld.idx.msk [tilespmem:v2+s23+$0x0 ss:$0x1], $0xffff  }
0x23: {  	v6 =	vld.idx.msk [tilespmem:v3+s23+$0x0 ss:$0x1], $0xffff;
	_ =	sdelay $0x1  }
0x24: {  	s21 =	sshll.u32 s20, $0x4;
	s22 =	simm.s32 $0x400;
	v5 =	vimm.f32 $0.0e+00  }
.LBB2_3:
0x25: {  	s23 =	sshra.s32 s22, $0x2;
	p0 =	sne.s32 s22, $0xFC00  }
.Ltmp0:
0x26: {  	s22 =	sadd.s32 $0x400, s22;
	v7 =	vmov v4;
	v4 =	vld.idx.msk [tilespmem:v2+s23+$0x0 ss:$0x1], $0xffff;
	(pc) =	sbr.rel @p0 .LBB2_3-.Ltmp0, $3  }
0x27: {  	v7 =	vsub.f32 v7, v6;
	v6 =	vld.idx.msk [tilespmem:v3+s23+$0x0 ss:$0x1], $0xffff;
	_ =	sdelay $0x1  }
0x28: {  	v7 =	vand.u32 $0x7FFFFFFF, v7  }
0x29: {  	v5 =	vadd.f32 v7, v5  }
0x2a: {  	v2 =	vld [tilespmem:s21+$0xC000]  }
0x2b: {  	v3 =	vsub.f32 v4, v6  }
0x2c: {  	s20 =	sadd.s32 $0x1, s20  }
0x2d: {  	p0 =	sne.s32 s20, $0x10;
	v3 =	vand.u32 $0x7FFFFFFF, v3  }
.Ltmp1:
0x2e: {  	v3 =	vadd.f32 v3, v5;
	(pc) =	sbr.rel @p0 .LBB2_2-.Ltmp1, $3  }
0x2f: {  	v63 =	vand.u32 $0x7FFFFFFF, v2  }
0x30: {  	v3 =	vmul.f32 v63, v3;
	_ =	sdelay $0x1  }
0x31: {  	s19 =	sadd.s32 $0x10, s19;
	s18 =	sadd.s32 $0x10, s18;
	v0 =	vadd.f32 v2, v0;
	v1 =	vadd.f32 v3, v1  }
0x32: {  	_ = 	snop  }
0x33: {  	[tilespmem:$0xC100] =	vst v1  }
0x34: {  	[tilespmem:$0xC180] =	vst v0  }
0x35: {  	[hbm4b:s7+s3] =	stream.linear.scatter [tilespmem:s15], [sflag:$0x2], $0x80, $0x38;
	[tilespmem:$0xC200] =	vst v63  }
0x36: {  	s17 =	sadd.s32 $0x1, s17;
	_ =	swait.ge [sflag:s12], $0x80  }
0x37: {  	p0 =	sne.s32 s17, s9;
	[sflag:s12] =	ssyncset.done $0x0  }
.Ltmp2:
0x38: {  	[sflag:s12] =	ssyncadd.s32 $0xFFFFFF80;
	(pc) =	sbr.rel @p0 .LBB2_1-.Ltmp2, $4  }
0x39: {  	[hbm4b:s8+s3] =	stream.linear.scatter [tilespmem:s16], [sflag:$0x2], $0x80, $0x38;
	[tilespmem:$0xC200] =	vst v63  }
0x3a: {  	_ =	swait.ge [sflag:s12], $0x80  }
0x3b: {  	[sflag:s12] =	ssyncset.done $0x0  }
0x3c: {  	[sflag:s12] =	ssyncadd.s32 $0xFFFFFF80  }
0x3d: {  	_ =	sfence.sel $0x180000  }
0x3e: {  	[bflag:$0x0] =	sbarrier.arrive $0xFFFF  }
0x3f: {  	p0 =	sne.s32 s0, $0x0;
	_ =	strace $0x90000047  }
0x40: {  	s0 =	sadd.s32 @!p0 $0x100000, s1;
	[bflag:$0x2] =	sbarrier.arrive $0xFFFF  }
0x41: {  	[sflag:s0] =	ssyncadd.tile.s32 @!p0 $0x1;
	_ =	shalt  }
.Lfunc_end2:
_tile_overlayer_lowered:
.L_overlay_start_2:
0x42: {  	(tag) =	ssettag $0x2  }
0x43: {  	s0 =	rddreg [dreg:$0x0];
	s2 =	stileid.u32  }
0x44: {  	s1 =	rddreg [dreg:$0x1];
	p0 =	sne.s32 s2, $0x0  }
0x45: {  	s3 =	rddreg [dreg:$0x2];
	[bflag:$0x3] =	sbarrier.arrive $0xFFFF;
	s2 =	simm.s32 @!p0 $0x1C02  }
0x46: {  	[timem:s3], [sflag:s2] =	dma.local @!p0 [hbm:s0], s1  }
0x47: {  	s0 =	simm.s32 @!p0 $0x2  }
0x48: {  	_ =	swait.ge @!p0 [sflag:s0], s1  }
0x49: {  	s1 =	ssub.s32 @!p0 $0x0, s1;
	[sflag:s0] =	ssyncset.done @!p0 $0x0  }
0x4a: {  	[sflag:s0] =	ssyncadd.s32 @!p0 s1  }
0x4b: {  	[bflag:$0x3] =	sbarrier.arrive $0xFFFF  }
0x4c: {  	_ =	shalt  }

</sc_bundles>
